<compile_context>
chip_gen: v7x
topology: tpu7x:2x2x1
jax: 0.10.2.dev20260603
libtpu: 0.0.44.dev20260713+nightly
codegen_flags: <defaults>
</compile_context>

<pallas_src>
import functools

import jax
import jax.numpy as jnp
from jax import lax
from jax.experimental import pallas as pl
from jax.experimental.pallas import tpu as pltpu
from jax.experimental.pallas import tpu_sc as plsc

_B = 32768
_N_EXPERTS = 64
_L = 16

_INFO = plsc.get_sparse_core_info()
_NC = 1
_NW = _NC * _INFO.num_subcores
_PER_W = _B // _NW

_mesh = plsc.VectorSubcoreMesh(
    core_axis_name="c", subcore_axis_name="s", num_cores=_NC)


@functools.partial(
    pl.kernel,
    mesh=_mesh,
    out_type=[
        jax.ShapeDtypeStruct((_B,), jnp.float32),
        jax.ShapeDtypeStruct((_B,), jnp.int32),
    ],
    scratch_types=[
        pltpu.VMEM((_PER_W,), jnp.float32),
        pltpu.VMEM((_PER_W,), jnp.float32),
        pltpu.VMEM((_PER_W,), jnp.int32),
    ],
)
def _route(x_hbm, w_hbm, ids_hbm, x_v, w_v, ids_v):
    base = lax.axis_index("s") * _PER_W
    pltpu.sync_copy(x_hbm.at[pl.ds(base, _PER_W)], x_v)

    ones = jnp.full((_L,), 1.0, jnp.float32)

    @plsc.parallel_loop(0, _PER_W, step=_L, unroll=8)
    def _body(i):
        sl = pl.ds(i, _L)
        xv = x_v[sl]
        e = xv.astype(jnp.int32) & (_N_EXPERTS - 1)
        e = jnp.where(xv == 1.0, 0, e)
        e = jnp.where(xv == 2.0, 1, e)
        ids_v[sl] = e
        w_v[sl] = ones

    pltpu.sync_copy(w_v, w_hbm.at[pl.ds(base, _PER_W)])
    pltpu.sync_copy(ids_v, ids_hbm.at[pl.ds(base, _PER_W)])


def kernel(x):
    w, ids = _route(x.reshape(_B))
    return (w.reshape(_B, 1), ids.reshape(_B, 1))

# --- scband reference (transcript-rebuilt; emitter-appended) ---
"""Pipeline reference for scband-deterministic-routing-14516989460787 (READ-ONLY COPY).

The authoritative reference and input builder live on the scoring server;
editing this copy changes nothing except your own understanding.
"""

import jax, jax.numpy as jnp
import numpy as np

N_EXPERTS = 64

def setup_inputs(seed: int = 0) -> dict:
    key = jax.random.key(seed)
    # x values are small integers stored as floats so the ==1.0/==2.0 masks
    # and the modulo routing path are all exercised.
    x = jax.random.randint(key, (32768, 1), 0, 64).astype(jnp.float32)
    return {"x": x}

def reference(x):
    # Faithful translation of DeterministicRouting.forward
    B = x.shape[0]
    x_flat = jnp.squeeze(x, -1) if x.ndim > 1 else x
    mask_1 = x_flat == 1.0
    mask_2 = x_flat == 2.0
    other_mask = ~(mask_1 | mask_2)
    # torch: zeros, then [mask_1]=0, [mask_2]=1, [other]=x.long() % n_experts
    expert_ids = jnp.zeros((B,), dtype=jnp.int32)
    expert_ids = jnp.where(mask_1, 0, expert_ids)
    expert_ids = jnp.where(mask_2, 1, expert_ids)
    expert_ids = jnp.where(other_mask, x_flat.astype(jnp.int32) % N_EXPERTS, expert_ids)
    topk_indices = expert_ids[:, None]
    weights = jnp.ones((B, 1), dtype=x.dtype)
    return (weights, topk_indices)

if __name__ == "__main__":
    import jax
    _d = setup_inputs()
    print(jax.jit(kernel)(*tuple(_d.values())))

</pallas_src>

<mosaic_0001>
#map = affine_map<(d0, d1) -> (0)>
module attributes {stable_mosaic.version = 14 : i64} {
  func.func @_route(%arg0: i32, %arg1: i32, %arg2: memref<32768xf32, #tpu.memory_space<hbm>>, %arg3: memref<32768xf32, #tpu.memory_space<hbm>>, %arg4: memref<32768xi32, #tpu.memory_space<hbm>>, %arg5: memref<2048xf32, #tpu.memory_space<vmem>>, %arg6: memref<2048xf32, #tpu.memory_space<vmem>>, %arg7: memref<2048xi32, #tpu.memory_space<vmem>>) attributes {dimension_semantics = [#tpu.dimension_semantics<core_parallel>, #tpu.dimension_semantics<subcore_parallel>], iteration_bounds = array<i64: 1, 16>, scalar_prefetch = 0 : i64, scratch_operands = 3 : i64, tpu.core_type = #tpu.core_type<sc_vector_subcore>, window_params = [{transform_indices = #map}, {transform_indices = #map}, {transform_indices = #map}]} {
    %mul3A = arith.constant 2048 : i32
    %mul3A_0 = arith.muli %arg1, %mul3A : i32
    "tpu.region"() ({
      %run_scoped3A = tpu.sem_alloc : memref<!tpu.dma_semaphore, #tpu.memory_space<semaphore_mem>>
      %dma_start3A = tpu.memref_slice %arg2[%mul3A_0] : memref<32768xf32, #tpu.memory_space<hbm>> -> memref<2048xf32, #tpu.memory_space<hbm>>
      %dma_start3A_4 = tpu.memref_slice %arg2[%mul3A_0] : memref<32768xf32, #tpu.memory_space<hbm>> -> memref<2048xf32, #tpu.memory_space<hbm>>
      tpu.enqueue_dma source(%dma_start3A_4 : memref<2048xf32, #tpu.memory_space<hbm>>) target(%arg5 : memref<2048xf32, #tpu.memory_space<vmem>>) target_semaphore(%run_scoped3A : memref<!tpu.dma_semaphore, #tpu.memory_space<semaphore_mem>>)
      %dma_wait3A = tpu.memref_slice %arg2[%mul3A_0] : memref<32768xf32, #tpu.memory_space<hbm>> -> memref<2048xf32, #tpu.memory_space<hbm>>
      %dma_wait3A_5 = tpu.memref_slice %arg2[%mul3A_0] : memref<32768xf32, #tpu.memory_space<hbm>> -> memref<2048xf32, #tpu.memory_space<hbm>>
      tpu.wait_dma2 semaphore(%run_scoped3A : memref<!tpu.dma_semaphore, #tpu.memory_space<semaphore_mem>>) src(%dma_wait3A_5 : memref<2048xf32, #tpu.memory_space<hbm>>) dst(%arg5 : memref<2048xf32, #tpu.memory_space<vmem>>)
      tpu.yield
    }) : () -> ()
    %broadcast_in_dim3A = arith.constant 1.000000e+00 : f32
    %broadcast_in_dim3A_1 = vector.broadcast %broadcast_in_dim3A : f32 to vector<16xf32>
    %parallel_loop3A = arith.constant 0 : i32
    %parallel_loop3A_2 = arith.constant 2048 : i32
    %parallel_loop3A_3 = arith.constant 16 : i32
    scf.for %parallel_loop3A_4 = %parallel_loop3A to %parallel_loop3A_2 step %parallel_loop3A_3  : i32 {
      %parallel_loop3A_5 = arith.index_cast %parallel_loop3A_4 : i32 to index
      %parallel_loop3A_6 = tpu.vector_load %arg5[%parallel_loop3A_5] {strides = array<i32>} : memref<2048xf32, #tpu.memory_space<vmem>>, vector<16xf32>,
      %parallel_loop3A_7 = vector.shape_cast %parallel_loop3A_6 : vector<16xf32> to vector<16xf32>
      %parallel_loop3A_8 = arith.fptosi %parallel_loop3A_7 : vector<16xf32> to vector<16xi32>
      %parallel_loop3A_9 = arith.constant 63 : i32
      %parallel_loop3A_10 = vector.broadcast %parallel_loop3A_9 : i32 to vector<16xi32>
      %parallel_loop3A_11 = arith.andi %parallel_loop3A_8, %parallel_loop3A_10 : vector<16xi32>
      %parallel_loop3A_12 = arith.constant 1.000000e+00 : f32
      %parallel_loop3A_13 = vector.broadcast %parallel_loop3A_12 : f32 to vector<16xf32>
      %parallel_loop3A_14 = arith.cmpf oeq, %parallel_loop3A_7, %parallel_loop3A_13 : vector<16xf32>
      %parallel_loop3A_15 = arith.constant 0 : i32
      %parallel_loop3A_16 = vector.broadcast %parallel_loop3A_15 : i32 to vector<16xi32>
      %parallel_loop3A_17 = arith.select %parallel_loop3A_14, %parallel_loop3A_16, %parallel_loop3A_11 : vector<16xi1>, vector<16xi32>
      %parallel_loop3A_18 = arith.constant 2.000000e+00 : f32
      %parallel_loop3A_19 = vector.broadcast %parallel_loop3A_18 : f32 to vector<16xf32>
      %parallel_loop3A_20 = arith.cmpf oeq, %parallel_loop3A_7, %parallel_loop3A_19 : vector<16xf32>
      %parallel_loop3A_21 = arith.constant 1 : i32
      %parallel_loop3A_22 = vector.broadcast %parallel_loop3A_21 : i32 to vector<16xi32>
      %parallel_loop3A_23 = arith.select %parallel_loop3A_20, %parallel_loop3A_22, %parallel_loop3A_17 : vector<16xi1>, vector<16xi32>
      %parallel_loop3A_24 = arith.index_cast %parallel_loop3A_4 : i32 to index
      %parallel_loop3A_25 = tpu.vector_load %arg7[%parallel_loop3A_24] {strides = array<i32>} : memref<2048xi32, #tpu.memory_space<vmem>>, vector<16xi32>,
      %parallel_loop3A_26 = vector.shape_cast %parallel_loop3A_25 : vector<16xi32> to vector<16xi32>
      %parallel_loop3A_27 = vector.shape_cast %parallel_loop3A_23 : vector<16xi32> to vector<16xi32>
      tpu.vector_store %arg7[%parallel_loop3A_24], %parallel_loop3A_27 {strides = array<i32>} : memref<2048xi32, #tpu.memory_space<vmem>>, vector<16xi32>,
      %parallel_loop3A_28 = arith.index_cast %parallel_loop3A_4 : i32 to index
      %parallel_loop3A_29 = tpu.vector_load %arg6[%parallel_loop3A_28] {strides = array<i32>} : memref<2048xf32, #tpu.memory_space<vmem>>, vector<16xf32>,
      %parallel_loop3A_30 = vector.shape_cast %parallel_loop3A_29 : vector<16xf32> to vector<16xf32>
      %parallel_loop3A_31 = vector.shape_cast %broadcast_in_dim3A_1 : vector<16xf32> to vector<16xf32>
      tpu.vector_store %arg6[%parallel_loop3A_28], %parallel_loop3A_31 {strides = array<i32>} : memref<2048xf32, #tpu.memory_space<vmem>>, vector<16xf32>,
    } {sc.loop_unroll_factor = 8 : i64, sc.parallel_access}
    "tpu.region"() ({
      %run_scoped3A = tpu.sem_alloc : memref<!tpu.dma_semaphore, #tpu.memory_space<semaphore_mem>>
      %dma_start3A = tpu.memref_slice %arg3[%mul3A_0] : memref<32768xf32, #tpu.memory_space<hbm>> -> memref<2048xf32, #tpu.memory_space<hbm>>
      %dma_start3A_4 = tpu.memref_slice %arg3[%mul3A_0] : memref<32768xf32, #tpu.memory_space<hbm>> -> memref<2048xf32, #tpu.memory_space<hbm>>
      tpu.enqueue_dma source(%arg6 : memref<2048xf32, #tpu.memory_space<vmem>>) target(%dma_start3A_4 : memref<2048xf32, #tpu.memory_space<hbm>>) target_semaphore(%run_scoped3A : memref<!tpu.dma_semaphore, #tpu.memory_space<semaphore_mem>>)
      %dma_wait3A = tpu.memref_slice %arg3[%mul3A_0] : memref<32768xf32, #tpu.memory_space<hbm>> -> memref<2048xf32, #tpu.memory_space<hbm>>
      %dma_wait3A_5 = tpu.memref_slice %arg3[%mul3A_0] : memref<32768xf32, #tpu.memory_space<hbm>> -> memref<2048xf32, #tpu.memory_space<hbm>>
      tpu.wait_dma2 semaphore(%run_scoped3A : memref<!tpu.dma_semaphore, #tpu.memory_space<semaphore_mem>>) src(%arg6 : memref<2048xf32, #tpu.memory_space<vmem>>) dst(%dma_wait3A_5 : memref<2048xf32, #tpu.memory_space<hbm>>)
      tpu.yield
    }) : () -> ()
    "tpu.region"() ({
      %run_scoped3A = tpu.sem_alloc : memref<!tpu.dma_semaphore, #tpu.memory_space<semaphore_mem>>
      %dma_start3A = tpu.memref_slice %arg4[%mul3A_0] : memref<32768xi32, #tpu.memory_space<hbm>> -> memref<2048xi32, #tpu.memory_space<hbm>>
      %dma_start3A_4 = tpu.memref_slice %arg4[%mul3A_0] : memref<32768xi32, #tpu.memory_space<hbm>> -> memref<2048xi32, #tpu.memory_space<hbm>>
      tpu.enqueue_dma source(%arg7 : memref<2048xi32, #tpu.memory_space<vmem>>) target(%dma_start3A_4 : memref<2048xi32, #tpu.memory_space<hbm>>) target_semaphore(%run_scoped3A : memref<!tpu.dma_semaphore, #tpu.memory_space<semaphore_mem>>)
      %dma_wait3A = tpu.memref_slice %arg4[%mul3A_0] : memref<32768xi32, #tpu.memory_space<hbm>> -> memref<2048xi32, #tpu.memory_space<hbm>>
      %dma_wait3A_5 = tpu.memref_slice %arg4[%mul3A_0] : memref<32768xi32, #tpu.memory_space<hbm>> -> memref<2048xi32, #tpu.memory_space<hbm>>
      tpu.wait_dma2 semaphore(%run_scoped3A : memref<!tpu.dma_semaphore, #tpu.memory_space<semaphore_mem>>) src(%arg7 : memref<2048xi32, #tpu.memory_space<vmem>>) dst(%dma_wait3A_5 : memref<2048xi32, #tpu.memory_space<hbm>>)
      tpu.yield
    }) : () -> ()
    return
  }
}

</mosaic_0001>

<sc_bundles>
// kernel: kernel.3.cloned.1.call-start
scs
__scs_entry_jumppad:
0x0: {  	(pc) =	sbr.rel $0x88, $3  }
0x1: {  	(tag) =	ssettag $0x0;
	lr =	simm.s32 $0x1  }
0x2: {  	[smem:$0x3FA0] =	sst lr;
	_ =	strace $0xD0000000  }
0x3: {  	_ = 	snop  }
0x4: {  	_ = 	snop  }
0x5: {  	_ = 	snop  }
0x6: {  	_ = 	snop  }
0x7: {  	_ = 	snop  }
__scs_overlays_trampoline_lowered:
0x8: {  	[smem:$0x3FAF] =	sst s0  }
0x9: {  	[smem:$0x3FB0] =	sst s1  }
0xa: {  	[smem:$0x3FB1] =	sst s2  }
0xb: {  	[smem:$0x3FB2] =	sst s3  }
0xc: {  	[smem:$0x3FB3] =	sst s4  }
0xd: {  	[smem:$0x3FB4] =	sst s5  }
0xe: {  	[smem:$0x3FB5] =	sst s6  }
0xf: {  	[smem:$0x3FB6] =	sst s7  }
0x10: {  	[smem:$0x3FB7] =	sst s8  }
0x11: {  	[smem:$0x3FB8] =	sst s9;
	s0 =	simm.s32 @!p0 $0x0  }
0x12: {  	s1 =	sld [smem:$0x3F9E];
	s0 =	simm.s32 @p0 $0x1  }
0x13: {  	[smem:$0x3FB9] =	sst s0;
	s0 =	simm.s32 @!p1 $0x0  }
0x14: {  	s2 =	sld [smem:$0x3F9D];
	s0 =	simm.s32 @p1 $0x1  }
0x15: {  	[smem:$0x3FBA] =	sst s0;
	s0 =	simm.s32 @!p2 $0x0  }
0x16: {  	s3 =	sld [smem:$0x3FDB];
	s0 =	simm.s32 @p2 $0x1  }
0x17: {  	s4 =	simm.s32 $0x1BF5;
	[smem:$0x3FBC] =	sst s0  }
0x18: {  	s0 =	sld [smem:$0x3F9F];
	_ =	swait.ge [sflag:s4], $0x0  }
0x19: {  	s7 =	sld [smem:$0x3FA0]  }
0x1a: {  	s8 =	sadd.s32 $0xFFFFE003, lr  }
0x1b: {  	s9 =	sadd.s32 $0xFFFFFEF7, lr;
	s5 =	simm.s32 $0xFFFFFFFF;
	p2 =	slt.u32 s8, $0xFFFFF086  }
0x1c: {  	p1 =	slt.u32 s9, $0xF7A;
	s5 =	simm.s32 @!p2 $0x0  }
0x1d: {  	s5 =	simm.s32 @p1 $0x1;
	p0 =	seq.s32 s7, s2  }
0x1e: {  	s7 =	smul.u32 @!p0 $0xF7A, s2;
	p2 =	seq.s32 @!p0 s5, $0x0  }
0x1f: {  	s9 =	smul.u32 $0xF7A, s1;
	s8 =	simm.s32 @!p0 $0x1BF5;
	p2 =	por !p2, p0  }
0x20: {  	[sflag:s8] =	ssyncset.s32 @!p0 $0xFFFFF086;
	s6 =	sadd.s32 @!p0 s3, s7;
	s7 =	simm.s32 @!p0 $0x108  }
0x21: {  	s3 =	sadd.s32 s3, s9;
	s6 =	sadd.s32 @!p0 $0x88, s6;
	s7 =	simm.s32 @p2 $0x1082  }
0x22: {  	[simem:s7], [sflag:s8] =	dma.local @!p0 [hbm:s6], $0xF7A  }
0x23: {  	s9 =	sor.u32 $0xD0000000, s2;
	s6 =	simm.s32 $0x108;
	_ =	swait.ge @!p0 [sflag:s8], $0x0  }
0x24: {  	s3 =	sadd.s32 $0x88, s3;
	s6 =	simm.s32 @!p1 $0x1082;
	[sflag:s4] =	ssyncset.s32 $0xFFFFF086  }
0x25: {  	[simem:s6], [sflag:s4] =	dma.local [hbm:s3], $0xF7A  }
0x26: {  	[smem:$0x3FA0] =	sst s1;
	(tag) =	ssettag s2;
	_ =	strace s9  }
0x27: {  	s1 =	sld [smem:$0x3FB0]  }
0x28: {  	s2 =	sld [smem:$0x3FB1]  }
0x29: {  	s4 =	sld [smem:$0x3FB3]  }
0x2a: {  	p0 =	seq.s32 s5, $0x0;
	s5 =	sld [smem:$0x3FB4]  }
0x2b: {  	s6 =	sld [smem:$0x3FB5]  }
0x2c: {  	s7 =	sld [smem:$0x3FB6]  }
0x2d: {  	s3 =	simm.s32 $0x108;
	s8 =	sld [smem:$0x3FB7]  }
0x2e: {  	s3 =	simm.s32 @!p0 $0x1082;
	s9 =	sld [smem:$0x3FB8]  }
0x2f: {  	lr =	sadd.s32 s0, s3;
	s0 =	sld [smem:$0x3FAF]  }
0x30: {  	s3 =	sld [smem:$0x3FB2]  }
0x31: {  	[smem:$0x3FBB] =	sst s10  }
0x32: {  	s10 =	sld [smem:$0x3FB9];
	_ =	sdelay $0x3  }
0x33: {  	p0 =	seq.s32 s10, $0x1;
	s10 =	sld [smem:$0x3FBB];
	_ =	sdelay $0x3  }
0x34: {  	[smem:$0x3FBB] =	sst s10  }
0x35: {  	s10 =	sld [smem:$0x3FBA];
	_ =	sdelay $0x3  }
0x36: {  	p1 =	seq.s32 s10, $0x1;
	s10 =	sld [smem:$0x3FBB];
	_ =	sdelay $0x3  }
0x37: {  	[smem:$0x3FBB] =	sst s10  }
0x38: {  	s10 =	sld [smem:$0x3FBC]  }
0x39: {  	_ = 	snop;
	(pc) =	sbr.ind lr, $3  }
0x3a: {  	_ = 	snop  }
0x3b: {  	_ = 	snop  }
0x3c: {  	p2 =	seq.s32 s10, $0x1;
	s10 =	sld [smem:$0x3FBB]  }
0x3d: {  	_ =	shalt  }
0x3e: {  	_ =	shalt  }
0x3f: {  	_ =	shalt  }
0x40: {  	_ =	shalt  }
0x41: {  	_ =	shalt  }
0x42: {  	_ =	shalt  }
0x43: {  	_ =	shalt  }
0x44: {  	_ =	shalt  }
0x45: {  	_ =	shalt  }
0x46: {  	_ =	shalt  }
0x47: {  	_ =	shalt  }
0x48: {  	_ =	shalt  }
0x49: {  	_ =	shalt  }
0x4a: {  	_ =	shalt  }
0x4b: {  	_ =	shalt  }
0x4c: {  	_ =	shalt  }
0x4d: {  	_ =	shalt  }
0x4e: {  	_ =	shalt  }
0x4f: {  	_ =	shalt  }
0x50: {  	_ =	shalt  }
0x51: {  	_ =	shalt  }
0x52: {  	_ =	shalt  }
0x53: {  	_ =	shalt  }
0x54: {  	_ =	shalt  }
0x55: {  	_ =	shalt  }
0x56: {  	_ =	shalt  }
0x57: {  	_ =	shalt  }
0x58: {  	_ =	shalt  }
0x59: {  	_ =	shalt  }
0x5a: {  	_ =	shalt  }
0x5b: {  	_ =	shalt  }
0x5c: {  	_ =	shalt  }
0x5d: {  	_ =	shalt  }
0x5e: {  	_ =	shalt  }
0x5f: {  	_ =	shalt  }
0x60: {  	_ =	shalt  }
0x61: {  	_ =	shalt  }
0x62: {  	_ =	shalt  }
0x63: {  	_ =	shalt  }
0x64: {  	_ =	shalt  }
0x65: {  	_ =	shalt  }
0x66: {  	_ =	shalt  }
0x67: {  	_ =	shalt  }
0x68: {  	_ =	shalt  }
0x69: {  	_ =	shalt  }
0x6a: {  	_ =	shalt  }
0x6b: {  	_ =	shalt  }
0x6c: {  	_ =	shalt  }
0x6d: {  	_ =	shalt  }
0x6e: {  	_ =	shalt  }
0x6f: {  	_ =	shalt  }
0x70: {  	_ =	shalt  }
0x71: {  	_ =	shalt  }
0x72: {  	_ =	shalt  }
0x73: {  	_ =	shalt  }
0x74: {  	_ =	shalt  }
0x75: {  	_ =	shalt  }
0x76: {  	_ =	shalt  }
0x77: {  	_ =	shalt  }
0x78: {  	_ =	shalt  }
0x79: {  	_ =	shalt  }
0x7a: {  	_ =	shalt  }
0x7b: {  	_ =	shalt  }
0x7c: {  	_ =	shalt  }
0x7d: {  	_ =	shalt  }
0x7e: {  	_ =	shalt  }
0x7f: {  	_ =	shalt  }
0x80: {  	_ =	shalt  }
0x81: {  	_ =	shalt  }
0x82: {  	_ =	shalt  }
0x83: {  	_ =	shalt  }
0x84: {  	_ =	shalt  }
0x85: {  	_ =	shalt  }
0x86: {  	_ =	shalt  }
0x87: {  	_ =	shalt  }
.Lfunc_end0:
.L_simem_size_0:
called_computation_lowered:
.L_overlay_start_0:
0x88: {  	s0 =	sld [smem:$0x3FD9]  }
0x89: {  	s1 =	sld [smem:$0x3FFE];
	_ =	sdelay $0x3  }
0x8a: {  	s0 =	sadd.s32 s1, s0  }
0x8b: {  	[smem:$0x3FC7] =	sst s0  }
0x8c: {  	_ = 	snop  }
0x8d: {  	s0 =	sld [smem:$0x3FD0];
	_ =	sdelay $0x2  }
0x8e: {  	s2 =	simm.s32 $0xA;
	s3 =	simm.s32 $0x10;
	s14 =	sld [smem:$0x3FC9]  }
0x8f: {  	[smem:s3], [sflag:s2] =	dma.local [hbm:s0], $0x1  }
0x90: {  	_ =	swait.eq [sflag:s2], $0x1  }
0x91: {  	[sflag:s2] =	ssyncset.done $0x0  }
0x92: {  	s15 =	sld [smem:$0x10];
	[sflag:s2] =	ssyncadd.s32 $0xFFFFFFFF  }
0x93: {  	s16 =	sld [smem:$0x11];
	(tm) =	ssettm $0x1  }
0x94: {  	s17 =	sld [smem:$0x3FFB];
	_ =	sdelay $0x3  }
0x95: {  	_ =	strace s17  }
0x96: {  	s3 =	sld [smem:$0x3FFC];
	_ =	sdelay $0x3  }
0x97: {  	_ =	strace s3  }
0x98: {  	s3 =	sld [smem:$0x3FFD];
	_ =	sdelay $0x3  }
0x99: {  	_ =	strace s3  }
0x9a: {  	_ =	strace $0x8FFFFFFF  }
0x9b: {  	s18 =	sld [smem:$0x3FDB];
	_ =	sdelay $0x1  }
0x9c: {  	s4 =	simm.s32 $_scs_section_size  }
0x9d: {  	s5 =	simm.s32 $_size__tile_overlayer_lowered;
	s6 =	simm.s32 $_tile_overlayer_lowered  }
0x9e: {  	s21 =	simm.s32 $0x1BFF;
	s20 =	sshll.u32 s6, $0x1;
	s3 =	sadd.s32 s4, s18  }
0x9f: {  	s7 =	simm.s32 $0x0;
	s19 =	sshll.u32 s5, $0x1;
	s5 =	sadd.s32 s20, s3  }
0xa0: {  	[timem:s7], [sflag:s21] =	dma.local [hbm:s5], s19  }
0xa1: {  	_ =	swait.ge [sflag:s21], s19  }
0xa2: {  	s4 =	ssub.s32 $0x0, s19;
	[sflag:s21] =	ssyncset.done $0x0  }
0xa3: {  	[sflag:s21] =	ssyncadd.s32 s4;
	_ =	sdelay $0x1  }
0xa4: {  	s22 =	simm.s32 $0x1B8B  }
0xa5: {  	_ =	swait.ge [sflag:s22], $0x1  }
0xa6: {  	[sflag:s22] =	ssyncset.done $0x0  }
0xa7: {  	s23 =	simm.s32 $0x1B8E;
	[sflag:s22] =	ssyncadd.s32 $0xFFFFFFFF  }
0xa8: {  	s24 =	simm.s32 $execute0_lowered;
	[smem:$0x3FD2] =	sst s23  }
0xa9: {  	s4 =	sshll.u32 s24, $0x1;
	_ =	strace $0x80000046;
	[dreg:$0x1] =	wrdreg $0xFFFFFFFF  }
0xaa: {  	s25 =	simm.s32 $_size_execute0_lowered;
	s3 =	sadd.s32 s3, s4;
	[dreg:$0x0] =	wrdreg $0x0  }
0xab: {  	s4 =	sshll.u32 s25, $0x1;
	[dreg:$0x2] =	wrdreg s3  }
0xac: {  	[dreg:$0x3] =	wrdreg s4  }
0xad: {  	[dreg:$0x4] =	wrdreg $0xC0  }
0xae: {  	_ =	task [dreg:s7], $0x5FFFF  }
0xaf: {  	[dreg:$0x1] =	wrdreg $0xFFFFFFFF  }
0xb0: {  	[dreg:$0x0] =	wrdreg $0x60  }
0xb1: {  	[dreg:$0x2] =	wrdreg s14  }
0xb2: {  	[dreg:$0x3] =	wrdreg s15  }
0xb3: {  	[dreg:$0x4] =	wrdreg s16  }
0xb4: {  	[dreg:$0x5] =	wrdreg $0x9  }
0xb5: {  	_ =	task.clear_ibuf [dreg:s7], $0x6FFFF;
	_ =	strace $0x90000046  }
0xb6: {  	s26 =	simm.s32 $0x9;
	_ =	strace $0x80000048  }
0xb7: {  	_ =	swait.ge [sflag:s26], $0x1  }
0xb8: {  	[sflag:s26] =	ssyncadd.s32 $0xFFFFFFFF  }
0xb9: {  	_ =	strace $0x90000048  }
0xba: {  	_ =	sfence  }
0xbb: {  	s28 =	sld [smem:$0x0];
	_ =	sdelay $0x1  }
0xbc: {  	s29 =	srdreg.scid  }
0xbd: {  	s30 =	sshll.u32 s29, $0xD;
	s31 =	sshrl.u32 s29, $0x2  }
0xbe: {  	s1 =	sand.u32 $0x1, s29;
	s2 =	sand.u32 $0x4000, s30;
	s0 =	sadd.s32 s31, s28  }
0xbf: {  	s1 =	sor.u32 s2, s1;
	s0 =	sshll.u32 s0, $0x11  }
0xc0: {  	s0 =	sor.u32 s0, s1  }
0xc1: {  	s0 =	sadd.s32 $0x8F2B, s0  }
0xc2: {  	[sflag:s0] =	ssyncadd.remote.s32 $0x1  }
0xc3: {  	_ =	sfence.sel $0xFFFF  }
0xc4: {  	[dreg:$0x0] =	wrdreg $0xFFFFFFFF;
	(pc) =	sbr.abs _section_cstart, $3  }
0xc5: {  	[dreg:$0x1] =	wrdreg $0xFFFFFFFF  }
0xc6: {  	_ =	task.clear_ibuf [dreg:s7], $0x2FFFF;
	_ =	strace $0x9FFFFFFF  }
0xc7: {  	(tm) =	ssettm $0x7FFFFFFF  }
tec
execute0_lowered:
.L_overlay_start_1:
0x0: {  	(tag) =	ssettag $0x1  }
0x1: {  	s5 =	rddreg [dreg:$0x0]  }
0x2: {  	s4 =	rddreg [dreg:$0x1]  }
0x3: {  	s2 =	rddreg [dreg:$0x2]  }
0x4: {  	s0 =	rddreg [dreg:$0x3];
	s6 =	simm.s32 $0x0;
	s1 =	stileid.u32  }
0x5: {  	[smem:$0x7FF] =	sst s6;
	s3 =	sshll.u32 s1, $0x8  }
0x6: {  	s29 =	simm.s32 $0x1;
	_ =	strace $0x80000047;
	s5 =	sadd.s32 s5, s3  }
0x7: {  	[tilespmem:s6], [sflag:$0x1] =	stream.linear.gather [hbm4b:s5+s6], $0x800, $0x38;
	[tilespmem:$0x1800] =	vst v63  }
0x8: {  	_ =	swait.ge [sflag:s29], $0x800  }
0x9: {  	[sflag:s29] =	ssyncset.done $0x0  }
0xa: {  	s30 =	simm.s32 $0x40;
	[sflag:s29] =	ssyncadd.s32 $0xFFFFF800  }
0xb: {  	v1 =	vld [tilespmem:s30+$0x30]  }
0xc: {  	v2 =	vld [tilespmem:s30+$0xFFFFFFD0]  }
0xd: {  	v3 =	vld [tilespmem:s30+$0xFFFFFFE0]  }
0xe: {  	v4 =	vld [tilespmem:s30+$0xFFFFFFF0]  }
0xf: {  	v5 =	vld [tilespmem:s30+$0x0]  }
0x10: {  	v9 =	vld [tilespmem:s30+$0x20]  }
0x11: {  	v10 =	vld [tilespmem:s30+$0xFFFFFFC0]  }
0x12: {  	v0 =	vimm.f32 $1.000000000e+00;
	v6 =	vld [tilespmem:s30+$0x10]  }
0x13: {  	v7 =	vtrunc.f32 v1;
	v8 =	vtrunc.f32 v2;
	vm0 =	veq.f32 v2, $1.000000000e+00  }
0x14: {  	v11 =	vtrunc.f32 v3;
	vm1 =	veq.f32 v3, $1.000000000e+00;
	v12 =	vtrunc.f32 v4  }
0x15: {  	vm2 =	veq.f32 v1, $1.000000000e+00;
	v13 =	vtrunc.f32 v5;
	v14 =	vtrunc.f32 v9  }
0x16: {  	v15 =	vtrunc.f32 v10;
	vm3 =	veq.f32 v4, $1.000000000e+00;
	vm4 =	veq.f32 v5, $1.000000000e+00  }
0x17: {  	vm5 =	veq.f32 v6, $1.000000000e+00;
	vm12 =	veq.f32 v5, $2.000000000e+00;
	v7 =	vcvt.f32.s32 v7  }
0x18: {  	vm13 =	veq.f32 v6, $2.000000000e+00;
	v8 =	vcvt.f32.s32 v8;
	v12 =	vcvt.f32.s32 v12  }
0x19: {  	vm6 =	veq.f32 v9, $2.000000000e+00;
	v13 =	vcvt.f32.s32 v13;
	v15 =	vcvt.f32.s32 v15  }
0x1a: {  	v14 =	vcvt.f32.s32 v14;
	v7 =	vand.u32 $0x3F, v7;
	v8 =	vand.u32 $0x3F, v8  }
0x1b: {  	s31 =	simm.s32 $0xC0;
	v12 =	vand.u32 $0x3F, v12;
	v13 =	vand.u32 $0x3F, v13;
	v15 =	vand.u32 $0x3F, v15  }
0x1c: {  	v17 =	vld [tilespmem:s31+$0x30];
	v14 =	vand.u32 $0x3F, v14;
	v7 =	vsel vm2, $0x0, v7;
	vm2 =	veq.f32 v1, $2.000000000e+00  }
0x1d: {  	v1 =	vcvt.f32.s32 v11;
	v11 =	vtrunc.f32 v6;
	v8 =	vsel vm0, $0x0, v8  }
0x1e: {  	vm0 =	veq.f32 v9, $1.000000000e+00;
	v12 =	vsel vm3, $0x0, v12;
	v13 =	vsel vm4, $0x0, v13  }
0x1f: {  	vm3 =	veq.f32 v4, $2.000000000e+00;
	v7 =	vsel vm2, $0x1, v7;
	v11 =	vcvt.f32.s32 v11  }
0x20: {  	vm2 =	veq.f32 v10, $1.000000000e+00;
	v9 =	vsel vm3, $0x1, v12;
	v12 =	vsel vm12, $0x1, v13  }
0x21: {  	s8 =	simm.s32 $0x1040;
	v4 =	vld [tilespmem:s31+$0x0];
	v13 =	vtrunc.f32 v17;
	v1 =	vand.u32 $0x3F, v1;
	v15 =	vsel vm2, $0x0, v15  }
0x22: {  	v6 =	vld [tilespmem:s31+$0x20];
	vm2 =	veq.f32 v3, $2.000000000e+00;
	[tilespmem:s8+$0x30] =	vst v7;
	v13 =	vcvt.f32.s32 v13;
	v11 =	vand.u32 $0x3F, v11  }
0x23: {  	[tilespmem:s8+$0xFFFFFFF0] =	vst v9;
	v16 =	vsel vm1, $0x0, v1;
	vm1 =	veq.f32 v10, $2.000000000e+00;
	v10 =	vsel vm5, $0x0, v11  }
0x24: {  	s5 =	simm.s32 $0x840;
	v3 =	vld [tilespmem:s31+$0xFFFFFFF0];
	[tilespmem:s8+$0x0] =	vst v12;
	v11 =	vsel vm0, $0x0, v14;
	vm0 =	veq.f32 v2, $2.000000000e+00;
	v5 =	vsel vm1, $0x1, v15  }
0x25: {  	v1 =	vld [tilespmem:s31+$0xFFFFFFD0];
	[tilespmem:s5+$0x30] =	vst v0;
	v13 =	vand.u32 $0x3F, v13;
	v7 =	vsel vm0, $0x1, v8;
	v8 =	vsel vm2, $0x1, v16  }
0x26: {  	v2 =	vld [tilespmem:s31+$0xFFFFFFE0];
	[tilespmem:s8+$0xFFFFFFC0] =	vst v5;
	v10 =	vsel vm13, $0x1, v10;
	v15 =	vsel vm6, $0x1, v11;
	vm2 =	veq.f32 v17, $1.000000000e+00  }
0x27: {  	v5 =	vld [tilespmem:s31+$0x10];
	v62 =	vtrunc.f32 v6;
	vm15 =	veq.f32 v4, $1.000000000e+00;
	[tilespmem:s8+$0xFFFFFFE0] =	vst v8;
	v8 =	vtrunc.f32 v4  }
0x28: {  	[tilespmem:s8+$0xFFFFFFD0] =	vst v7;
	v7 =	vld [tilespmem:s31+$0xFFFFFFC0];
	v13 =	vsel vm2, $0x0, v13;
	vm2 =	veq.f32 v17, $2.000000000e+00;
	v16 =	vcvt.f32.s32 v62  }
0x29: {  	[tilespmem:s5+$0xFFFFFFF0] =	vst v0;
	v60 =	vtrunc.f32 v3;
	v13 =	vsel vm2, $0x1, v13;
	v8 =	vcvt.f32.s32 v8  }
0x2a: {  	[tilespmem:s5+$0x0] =	vst v0;
	vm14 =	veq.f32 v3, $1.000000000e+00;
	v11 =	vtrunc.f32 v1;
	v9 =	vcvt.f32.s32 v60  }
0x2b: {  	[tilespmem:s5+$0xFFFFFFC0] =	vst v0;
	vm0 =	veq.f32 v1, $1.000000000e+00;
	v11 =	vcvt.f32.s32 v11;
	v14 =	vtrunc.f32 v2  }
0x2c: {  	s7 =	simm.s32 $0x10C0;
	[tilespmem:s8+$0x10] =	vst v10;
	vm1 =	veq.f32 v2, $1.000000000e+00;
	v63 =	vand.u32 $0x3F, v8;
	v14 =	vcvt.f32.s32 v14  }
0x2d: {  	[tilespmem:s7+$0x30] =	vst v13;
	v61 =	vtrunc.f32 v5;
	v18 =	vand.u32 $0x3F, v9;
	v13 =	vtrunc.f32 v7  }
0x2e: {  	[tilespmem:s8+$0x20] =	vst v15;
	vm2 =	veq.f32 v5, $1.000000000e+00;
	v9 =	vcvt.f32.s32 v61;
	v13 =	vcvt.f32.s32 v13  }
0x2f: {  	[tilespmem:s5+$0xFFFFFFD0] =	vst v0;
	v10 =	vsel vm15, $0x0, v63;
	v11 =	vand.u32 $0x3F, v11;
	vm3 =	veq.f32 v7, $1.000000000e+00  }
0x30: {  	[tilespmem:s5+$0xFFFFFFE0] =	vst v0;
	v14 =	vand.u32 $0x3F, v14;
	v8 =	vand.u32 $0x3F, v9;
	v12 =	vand.u32 $0x3F, v13  }
0x31: {  	s6 =	simm.s32 $0x8C0;
	[tilespmem:s5+$0x10] =	vst v0;
	v9 =	vand.u32 $0x3F, v16;
	v14 =	vsel vm1, $0x0, v14;
	v13 =	vsel vm3, $0x0, v12  }
0x32: {  	s9 =	simm.s32 $0x80;
	s10 =	simm.s32 $0x140;
	s8 =	simm.s32 $0x10C0;
	[tilespmem:s6+$0x30] =	vst v0;
	v12 =	vsel vm0, $0x0, v11;
	vm0 =	veq.f32 v6, $1.000000000e+00;
	v11 =	vsel vm14, $0x0, v18  }
.LBB2_1:
0x33: {  	v15 =	vld [tilespmem:s10+$0x30];
	vm1 =	veq.f32 v7, $2.000000000e+00;
	v7 =	vsel vm2, $0x0, v8;
	v8 =	vsel vm0, $0x0, v9;
	[tilespmem:s5+$0x20] =	vst v0;
	s5 =	smov.u32 s6  }
0x34: {  	s9 =	sadd.s32 $0x80, s9;
	vm0 =	veq.f32 v1, $2.000000000e+00;
	vm2 =	veq.f32 v2, $2.000000000e+00;
	vm3 =	veq.f32 v3, $2.000000000e+00;
	v1 =	vld [tilespmem:s10+$0xFFFFFFD0]  }
0x35: {  	vm4 =	veq.f32 v4, $2.000000000e+00;
	vm5 =	veq.f32 v5, $2.000000000e+00;
	vm6 =	veq.f32 v6, $2.000000000e+00;
	p0 =	slt.u32 s9, $0x780;
	v2 =	vld [tilespmem:s10+$0xFFFFFFE0]  }
0x36: {  	v5 =	vsel vm1, $0x1, v13;
	v9 =	vsel vm0, $0x1, v12;
	v12 =	vsel vm2, $0x1, v14;
	v3 =	vld [tilespmem:s10+$0xFFFFFFF0]  }
0x37: {  	v11 =	vsel vm3, $0x1, v11;
	v10 =	vsel vm4, $0x1, v10;
	v13 =	vsel vm5, $0x1, v7;
	v4 =	vld [tilespmem:s10+$0x0];
	[tilespmem:s7+$0xFFFFFFC0] =	vst v5  }
0x38: {  	v16 =	vsel vm6, $0x1, v8;
	v5 =	vld [tilespmem:s10+$0x10];
	v7 =	vtrunc.f32 v15;
	[tilespmem:s6+$0xFFFFFFC0] =	vst v0  }
0x39: {  	v8 =	vtrunc.f32 v1;
	vm0 =	veq.f32 v1, $1.000000000e+00;
	v6 =	vld [tilespmem:s10+$0x20];
	v14 =	vcvt.f32.s32 v7;
	[tilespmem:s7+$0xFFFFFFD0] =	vst v9  }
0x3a: {  	v7 =	vld [tilespmem:s10+$0xFFFFFFC0];
	v8 =	vcvt.f32.s32 v8;
	v9 =	vtrunc.f32 v2;
	vm1 =	veq.f32 v2, $1.000000000e+00;
	[tilespmem:s6+$0xFFFFFFD0] =	vst v0  }
0x3b: {  	vm2 =	veq.f32 v15, $1.000000000e+00;
	v17 =	vtrunc.f32 v3;
	v14 =	vand.u32 $0x3F, v14;
	[tilespmem:s7+$0xFFFFFFE0] =	vst v12  }
0x3c: {  	v12 =	vtrunc.f32 v4;
	v14 =	vsel vm2, $0x0, v14;
	vm2 =	veq.f32 v15, $2.000000000e+00;
	[tilespmem:s6+$0xFFFFFFE0] =	vst v0  }
0x3d: {  	v9 =	vcvt.f32.s32 v9;
	s7 =	sadd.s32 $0x80, s7;
	v15 =	vtrunc.f32 v5;
	v14 =	vsel vm2, $0x1, v14;
	[tilespmem:s8+$0xFFFFFFF0] =	vst v11  }
0x3e: {  	s6 =	sadd.s32 $0x80, s6;
	v11 =	vand.u32 $0x3F, v8;
	v8 =	vcvt.f32.s32 v17;
	v17 =	vtrunc.f32 v6;
	[tilespmem:s7+$0x30] =	vst v14  }
0x3f: {  	v18 =	vand.u32 $0x3F, v9;
	v9 =	vcvt.f32.s32 v12;
	v14 =	vtrunc.f32 v7;
	[tilespmem:s6+$0x30] =	vst v0  }
0x40: {  	v19 =	vand.u32 $0x3F, v8;
	v8 =	vcvt.f32.s32 v15;
	v12 =	vcvt.f32.s32 v14;
	[tilespmem:s5+$0xFFFFFFF0] =	vst v0  }
.Ltmp0:
0x41: {  	vm3 =	veq.f32 v7, $1.000000000e+00;
	v15 =	vand.u32 $0x3F, v9;
	v9 =	vcvt.f32.s32 v17;
	[tilespmem:s8+$0x0] =	vst v10;
	(pc) =	sbr.rel @p0 .LBB2_1-.Ltmp0, $4  }
0x42: {  	vm4 =	veq.f32 v3, $1.000000000e+00;
	v8 =	vand.u32 $0x3F, v8;
	v10 =	vand.u32 $0x3F, v12;
	[tilespmem:s5+$0x0] =	vst v0  }
0x43: {  	vm5 =	veq.f32 v4, $1.000000000e+00;
	vm2 =	veq.f32 v5, $1.000000000e+00;
	v9 =	vand.u32 $0x3F, v9;
	[tilespmem:s8+$0x10] =	vst v13  }
0x44: {  	v12 =	vsel vm0, $0x0, v11;
	vm0 =	veq.f32 v6, $1.000000000e+00;
	v13 =	vsel vm3, $0x0, v10;
	[tilespmem:s5+$0x10] =	vst v0  }
0x45: {  	s10 =	sadd.s32 $0x80, s10;
	v14 =	vsel vm1, $0x0, v18;
	v11 =	vsel vm4, $0x0, v19;
	v10 =	vsel vm5, $0x0, v15;
	[tilespmem:s8+$0x20] =	vst v16;
	s8 =	smov.u32 s7  }
0x46: {  	vm1 =	veq.f32 v7, $2.000000000e+00  }
0x47: {  	[tilespmem:s5+$0x20] =	vst v0;
	vm10 =	veq.f32 v1, $2.000000000e+00;
	v7 =	vsel vm1, $0x1, v13  }
0x48: {  	vm11 =	veq.f32 v2, $2.000000000e+00;
	v1 =	vsel vm10, $0x1, v12;
	[tilespmem:s7+$0xFFFFFFC0] =	vst v7  }
0x49: {  	vm12 =	veq.f32 v3, $2.000000000e+00;
	v57 =	vsel vm11, $0x1, v14;
	[tilespmem:s7+$0xFFFFFFD0] =	vst v1  }
0x4a: {  	vm13 =	veq.f32 v4, $2.000000000e+00;
	v58 =	vsel vm12, $0x1, v11;
	[tilespmem:s7+$0xFFFFFFE0] =	vst v57  }
0x4b: {  	v60 =	vsel vm2, $0x0, v8;
	vm14 =	veq.f32 v5, $2.000000000e+00;
	v59 =	vsel vm13, $0x1, v10;
	[tilespmem:s8+$0xFFFFFFF0] =	vst v58  }
0x4c: {  	v62 =	vsel vm0, $0x0, v9;
	vm15 =	veq.f32 v6, $2.000000000e+00;
	v61 =	vsel vm14, $0x1, v60;
	[tilespmem:s8+$0x0] =	vst v59  }
0x4d: {  	v63 =	vsel vm15, $0x1, v62;
	[tilespmem:s8+$0x10] =	vst v61  }
0x4e: {  	[tilespmem:s8+$0x20] =	vst v63  }
0x4f: {  	[tilespmem:s6+$0xFFFFFFC0] =	vst v0  }
0x50: {  	[tilespmem:s6+$0xFFFFFFD0] =	vst v0  }
0x51: {  	[tilespmem:s6+$0xFFFFFFE0] =	vst v0  }
0x52: {  	[tilespmem:s6+$0xFFFFFFF0] =	vst v0  }
0x53: {  	[tilespmem:s6+$0x0] =	vst v0  }
0x54: {  	s4 =	sadd.s32 s4, s3;
	[tilespmem:s6+$0x10] =	vst v0  }
0x55: {  	s28 =	simm.s32 $0x0;
	s29 =	simm.s32 $0x800;
	s30 =	simm.s32 $0x1;
	[tilespmem:s6+$0x20] =	vst v0  }
0x56: {  	[hbm4b:s4+s28] =	stream.linear.scatter [tilespmem:s29], [sflag:$0x1], $0x800, $0x38;
	[tilespmem:$0x1800] =	vst v63  }
0x57: {  	_ =	swait.ge [sflag:s30], $0x800  }
0x58: {  	[sflag:s30] =	ssyncset.done $0x0  }
0x59: {  	s2 =	sadd.s32 s2, s3;
	s31 =	simm.s32 $0x1000;
	[sflag:s30] =	ssyncadd.s32 $0xFFFFF800  }
0x5a: {  	[hbm4b:s2+s28] =	stream.linear.scatter [tilespmem:s31], [sflag:$0x1], $0x800, $0x38;
	[tilespmem:$0x1800] =	vst v63  }
0x5b: {  	_ =	swait.ge [sflag:s30], $0x800  }
0x5c: {  	[sflag:s30] =	ssyncset.done $0x0  }
0x5d: {  	[sflag:s30] =	ssyncadd.s32 $0xFFFFF800  }
0x5e: {  	_ =	sfence.sel $0x180000  }
0x5f: {  	[bflag:$0x0] =	sbarrier.arrive $0xFFFF  }
0x60: {  	p0 =	sne.s32 s1, $0x0;
	_ =	strace $0x90000047  }
0x61: {  	s0 =	sadd.s32 @!p0 $0x100000, s0;
	[bflag:$0x2] =	sbarrier.arrive $0xFFFF  }
0x62: {  	[sflag:s0] =	ssyncadd.tile.s32 @!p0 $0x1;
	_ =	shalt  }
.Lfunc_end2:
_tile_overlayer_lowered:
.L_overlay_start_2:
0x63: {  	(tag) =	ssettag $0x2  }
0x64: {  	s0 =	rddreg [dreg:$0x0];
	s2 =	stileid.u32  }
0x65: {  	s1 =	rddreg [dreg:$0x1];
	p0 =	sne.s32 s2, $0x0  }
0x66: {  	s3 =	rddreg [dreg:$0x2];
	[bflag:$0x3] =	sbarrier.arrive $0xFFFF;
	s2 =	simm.s32 @!p0 $0x1C01  }
0x67: {  	[timem:s3], [sflag:s2] =	dma.local @!p0 [hbm:s0], s1  }
0x68: {  	s0 =	simm.s32 @!p0 $0x1  }
0x69: {  	_ =	swait.ge @!p0 [sflag:s0], s1  }
0x6a: {  	s1 =	ssub.s32 @!p0 $0x0, s1;
	[sflag:s0] =	ssyncset.done @!p0 $0x0  }
0x6b: {  	[sflag:s0] =	ssyncadd.s32 @!p0 s1  }
0x6c: {  	[bflag:$0x3] =	sbarrier.arrive $0xFFFF  }
0x6d: {  	_ =	shalt  }

</sc_bundles>
